<compile_context>
chip_gen: v7x
topology: tpu7x:2x2x1
jax: 0.10.2.dev20260603
libtpu: 0.0.44.dev20260713+nightly
codegen_flags: <defaults>
</compile_context>

<pallas_src>
import jax
import jax.numpy as jnp
from jax import lax
from jax.experimental import pallas as pl
from jax.experimental.pallas import tpu as pltpu

_VOCAB = 1_000_000
_D = 64
_NIDX = 20

_BV = 65536
_NB = (_VOCAB + _BV - 1) // _BV
_NEG = -1e30


def _fused_body(rows_ref, w_ref, b_ref, out_ref, scratch, s_ref, m_ref, l_ref):
  p = pl.program_id(0)
  i = pl.program_id(1)

  @pl.when(jnp.logical_and(p == 0, i == 0))
  def _():
    s_ref[...] = jnp.sum(rows_ref[...], axis=0, keepdims=True)
    m_ref[...] = jnp.full((1, 128), _NEG, jnp.float32)
    l_ref[...] = jnp.zeros((1, 128), jnp.float32)

  @pl.when(p == 0)
  def _():
    logits = lax.dot_general(
        s_ref[...], w_ref[0], (((1,), (0,)), ((), ())),
        preferred_element_type=jnp.float32,
    ) + b_ref[...].reshape(1, _BV)
    vidx = lax.broadcasted_iota(jnp.int32, (1, _BV), 1) + i * _BV
    logits = jnp.where(vidx < _VOCAB, logits, _NEG)
    scratch[:, pl.ds(i * _BV, _BV)] = logits
    m_old = m_ref[...]
    bmax = jnp.max(logits, axis=1, keepdims=True)
    m_new = jnp.maximum(m_old, bmax)
    corr = jnp.exp(m_old - m_new)
    bsum = jnp.sum(jnp.exp(logits - m_new[:, 0:1]), axis=1, keepdims=True)
    l_ref[...] = l_ref[...] * corr + bsum
    m_ref[...] = m_new

  @pl.when(p == 1)
  def _():
    logz = m_ref[...] + jnp.log(l_ref[...])
    res = scratch[:, pl.ds(i * _BV, _BV)] - logz[:, 0:1]
    out_ref[...] = res.reshape(_BV)


def kernel(inputs, emb, W, b):
  idx = inputs.astype(jnp.int32)
  rows = jnp.concatenate(
      [lax.dynamic_slice_in_dim(emb, idx[k], 1, 0) for k in range(_NIDX)],
      axis=0)
  z = rows[0, 0] * 0.0
  npad = _NB * _BV - _VOCAB
  wt = (jnp.pad(W.T + z, ((0, 0), (0, npad)))
        .reshape(_D, _NB, _BV).transpose(1, 0, 2))

  out = pl.pallas_call(
      _fused_body,
      grid=(2, _NB),
      in_specs=[
          pl.BlockSpec((_NIDX, _D), lambda p, i: (0, 0)),
          pl.BlockSpec((1, _D, _BV), lambda p, i: (i * (1 - p), 0, 0)),
          pl.BlockSpec((_BV,), lambda p, i: (i * (1 - p),)),
      ],
      out_specs=pl.BlockSpec((_BV,), lambda p, i: (i * p,)),
      out_shape=jax.ShapeDtypeStruct((_VOCAB,), jnp.float32),
      scratch_shapes=[
          pltpu.VMEM((1, _NB * _BV), jnp.float32),
          pltpu.VMEM((1, _D), jnp.float32),
          pltpu.VMEM((1, 128), jnp.float32),
          pltpu.VMEM((1, 128), jnp.float32),
      ],
      compiler_params=pltpu.CompilerParams(
          vmem_limit_bytes=110 * 1024 * 1024,
      ),
  )(rows, wt, b)

  return out.reshape(1, _VOCAB)

# --- scband reference (transcript-rebuilt; emitter-appended) ---
"""Pipeline reference for scband-cbow-50568944943339 (READ-ONLY COPY).

The authoritative reference and input builder live on the scoring server;
editing this copy changes nothing except your own understanding.
"""

import jax, jax.numpy as jnp
import numpy as np

VOCAB = 1000000
D = 64
CTX = 10

def setup_inputs(seed: int = 0) -> dict:
    key = jax.random.key(seed)
    k1, k2, k3 = jax.random.split(key, 3)
    inputs = jax.random.randint(k1, (2 * CTX,), 0, VOCAB)
    emb = jax.random.normal(k2, (VOCAB, D), dtype=jnp.float32) * 0.02
    W = jax.random.normal(k3, (VOCAB, D), dtype=jnp.float32) * 0.02
    b = jnp.zeros((VOCAB,), dtype=jnp.float32)
    return {"inputs": inputs, "emb": emb, "W": W, "b": b}

def reference(inputs, emb, W, b):
    # embedding lookup (gather)
    embeds = jnp.take(emb, inputs, axis=0).reshape(2 * CTX, -1)
    # sum context embeddings -> [1, D]
    s = embeds.sum(axis=0).reshape(1, -1)
    # linear projection to vocab logits: [1, VOCAB]
    out = s @ W.T + b
    # log softmax over vocab
    log_probs = jax.nn.log_softmax(out, axis=1)
    return log_probs

if __name__ == "__main__":
    import jax
    _d = setup_inputs()
    print(jax.jit(kernel)(*tuple(_d.values())))

</pallas_src>

<mosaic_0001>
module attributes {stable_mosaic.version = 14 : i64} {
  func.func @_fused_body(%arg0: i32, %arg1: i32, %arg2: memref<20x64xf32, #tpu.memory_space<vmem>>, %arg3: memref<1x64x65536xf32, #tpu.memory_space<vmem>>, %arg4: memref<65536xf32, #tpu.memory_space<vmem>>, %arg5: memref<65536xf32, #tpu.memory_space<vmem>>, %arg6: memref<1x1048576xf32, #tpu.memory_space<vmem>>, %arg7: memref<1x64xf32, #tpu.memory_space<vmem>>, %arg8: memref<1x128xf32, #tpu.memory_space<vmem>>, %arg9: memref<1x128xf32, #tpu.memory_space<vmem>>) attributes {dimension_semantics = [#tpu.dimension_semantics<arbitrary>, #tpu.dimension_semantics<arbitrary>], iteration_bounds = array<i64: 2, 16>, scalar_prefetch = 0 : i64, scratch_operands = 4 : i64, tpu.core_type = #tpu.core_type<tc>, window_params = [{pipeline_mode = #tpu.pipeline_mode<synchronous>, transform_indices = @transform_0, window_bounds = array<i64: 20, 64>}, {transform_indices = @transform_1, window_bounds = array<i64: 1, 64, 65536>}, {transform_indices = @transform_2, window_bounds = array<i64: 65536>}, {transform_indices = @transform_3, window_bounds = array<i64: 65536>}]} {
    %eq3A = arith.constant 0 : i32
    %eq3A_0 = arith.cmpi eq, %arg0, %eq3A : i32
    %eq3A_1 = arith.constant 0 : i32
    %eq3A_2 = arith.cmpi eq, %arg1, %eq3A_1 : i32
    %and3A = arith.andi %eq3A_0, %eq3A_2 : i1
    %convert_element_type3A = arith.extui %and3A : i1 to i32
    %cond3A = arith.constant 0 : i32
    %cond3A_3 = arith.cmpi ne, %convert_element_type3A, %cond3A : i32
    scf.if %cond3A_3 {
      %get3A = arith.constant 0 : index
      %get3A_14 = arith.constant 0 : index
      %get3A_15 = vector.load %arg2[%get3A, %get3A_14] : memref<20x64xf32, #tpu.memory_space<vmem>>, vector<20x64xf32>
      %reduce_sum3A = arith.constant dense<0.000000e+00> : vector<64xf32>
      %reduce_sum3A_16 = vector.multi_reduction <add>, %get3A_15, %reduce_sum3A [0] : vector<20x64xf32> to vector<64xf32>
      %broadcast_in_dim3A = vector.shape_cast %reduce_sum3A_16 : vector<64xf32> to vector<1x64xf32>
      %swap3A = arith.constant 0 : index
      %swap3A_17 = arith.constant 0 : index
      %swap3A_18 = vector.load %arg7[%swap3A, %swap3A_17] : memref<1x64xf32, #tpu.memory_space<vmem>>, vector<1x64xf32>
      tpu.vector_store %arg7[%swap3A, %swap3A_17], %broadcast_in_dim3A {strides = array<i32>} : memref<1x64xf32, #tpu.memory_space<vmem>>, vector<1x64xf32>,
      %broadcast_in_dim3A_19 = arith.constant -1.000000e+30 : f32
      %broadcast_in_dim3A_20 = vector.broadcast %broadcast_in_dim3A_19 : f32 to vector<1x128xf32>
      %swap3A_21 = arith.constant 0 : index
      %swap3A_22 = arith.constant 0 : index
      %swap3A_23 = vector.load %arg8[%swap3A_21, %swap3A_22] : memref<1x128xf32, #tpu.memory_space<vmem>>, vector<1x128xf32>
      tpu.vector_store %arg8[%swap3A_21, %swap3A_22], %broadcast_in_dim3A_20 {strides = array<i32>} : memref<1x128xf32, #tpu.memory_space<vmem>>, vector<1x128xf32>,
      %broadcast_in_dim3A_24 = arith.constant 0.000000e+00 : f32
      %broadcast_in_dim3A_25 = vector.broadcast %broadcast_in_dim3A_24 : f32 to vector<1x128xf32>
      %swap3A_26 = arith.constant 0 : index
      %swap3A_27 = arith.constant 0 : index
      %swap3A_28 = vector.load %arg9[%swap3A_26, %swap3A_27] : memref<1x128xf32, #tpu.memory_space<vmem>>, vector<1x128xf32>
      tpu.vector_store %arg9[%swap3A_26, %swap3A_27], %broadcast_in_dim3A_25 {strides = array<i32>} : memref<1x128xf32, #tpu.memory_space<vmem>>, vector<1x128xf32>,
    } else {
    }
    %eq3A_4 = arith.constant 0 : i32
    %eq3A_5 = arith.cmpi eq, %arg0, %eq3A_4 : i32
    %convert_element_type3A_6 = arith.extui %eq3A_5 : i1 to i32
    %cond3A_7 = arith.constant 0 : i32
    %cond3A_8 = arith.cmpi ne, %convert_element_type3A_6, %cond3A_7 : i32
    scf.if %cond3A_8 {
      %get3A = arith.constant 0 : index
      %get3A_14 = arith.constant 0 : index
      %get3A_15 = vector.load %arg7[%get3A, %get3A_14] : memref<1x64xf32, #tpu.memory_space<vmem>>, vector<1x64xf32>
      %get3A_16 = arith.constant 0 : index
      %get3A_17 = arith.constant 0 : index
      %get3A_18 = arith.constant 0 : index
      %get3A_19 = vector.load %arg3[%get3A_16, %get3A_17, %get3A_18] : memref<1x64x65536xf32, #tpu.memory_space<vmem>>, vector<1x64x65536xf32>
      %get3A_20 = vector.shape_cast %get3A_19 : vector<1x64x65536xf32> to vector<64x65536xf32>
      %dot_general3A = arith.constant dense<0.000000e+00> : vector<1x65536xf32>
      %dot_general3A_21 = tpu.matmul %get3A_15, %get3A_20, %dot_general3A {dimension_numbers = #tpu.dot_dimension_numbers<[1], [0], [0], [1], [0, 0, 1, 1], [], []>, transpose_lhs_hint = false} : vector<1x64xf32>, vector<64x65536xf32>, vector<1x65536xf32> -> vector<1x65536xf32>
      %get3A_22 = arith.constant 0 : index
      %get3A_23 = vector.load %arg4[%get3A_22] : memref<65536xf32, #tpu.memory_space<vmem>>, vector<65536xf32>
      %reshape3A = vector.shape_cast %get3A_23 : vector<65536xf32> to vector<1x65536xf32>
      %add3A = arith.addf %dot_general3A_21, %reshape3A : vector<1x65536xf32>
      %iota3A = tpu.iota {dimensions = array<i32: 1>} : vector<1x65536xi32>
      %mul3A = arith.constant 65536 : i32
      %mul3A_24 = arith.muli %arg1, %mul3A : i32
      %add3A_25 = vector.broadcast %mul3A_24 : i32 to vector<1x65536xi32>
      %add3A_26 = arith.addi %iota3A, %add3A_25 : vector<1x65536xi32>
      %lt3A = arith.constant 1000000 : i32
      %lt3A_27 = vector.broadcast %lt3A : i32 to vector<1x65536xi32>
      %lt3A_28 = arith.cmpi slt, %add3A_26, %lt3A_27 : vector<1x65536xi32>
      %jit3A = arith.constant -1.000000e+30 : f32
      %broadcast_in_dim3A = vector.broadcast %jit3A : f32 to vector<1x65536xf32>
      %select_n3A = arith.select %lt3A_28, %add3A, %broadcast_in_dim3A : vector<1x65536xi1>, vector<1x65536xf32>
      %mul3A_29 = arith.constant 65536 : i32
      %mul3A_30 = arith.muli %arg1, %mul3A_29 : i32
      %swap3A = arith.constant 0 : index
      %swap3A_31 = arith.index_cast %mul3A_30 : i32 to index
      %swap3A_32 = vector.load %arg6[%swap3A, %swap3A_31] : memref<1x1048576xf32, #tpu.memory_space<vmem>>, vector<1x65536xf32>
      tpu.vector_store %arg6[%swap3A, %swap3A_31], %select_n3A {strides = array<i32>} : memref<1x1048576xf32, #tpu.memory_space<vmem>>, vector<1x65536xf32>,
      %get3A_33 = arith.constant 0 : index
      %get3A_34 = arith.constant 0 : index
      %get3A_35 = vector.load %arg8[%get3A_33, %get3A_34] : memref<1x128xf32, #tpu.memory_space<vmem>>, vector<1x128xf32>
      %reduce_max3A = arith.constant dense<0xFF800000> : vector<1xf32>
      %reduce_max3A_36 = vector.multi_reduction <maximumf>, %select_n3A, %reduce_max3A [1] : vector<1x65536xf32> to vector<1xf32>
      %broadcast_in_dim3A_37 = vector.shape_cast %reduce_max3A_36 : vector<1xf32> to vector<1x1xf32>
      %max3A = vector.broadcast %broadcast_in_dim3A_37 : vector<1x1xf32> to vector<1x128xf32>
      %max3A_38 = arith.maximumf %get3A_35, %max3A : vector<1x128xf32>
      %sub3A = arith.subf %get3A_35, %max3A_38 : vector<1x128xf32>
      %exp3A = math.exp %sub3A : vector<1x128xf32>
      %slice3A = vector.extract_strided_slice %max3A_38 {offsets = [0, 0], sizes = [1, 1], strides = [1, 1]} : vector<1x128xf32> to vector<1x1xf32>
      %sub3A_39 = vector.broadcast %slice3A : vector<1x1xf32> to vector<1x65536xf32>
      %sub3A_40 = arith.subf %select_n3A, %sub3A_39 : vector<1x65536xf32>
      %exp3A_41 = math.exp %sub3A_40 : vector<1x65536xf32>
      %reduce_sum3A = arith.constant dense<0.000000e+00> : vector<1xf32>
      %reduce_sum3A_42 = vector.multi_reduction <add>, %exp3A_41, %reduce_sum3A [1] : vector<1x65536xf32> to vector<1xf32>
      %broadcast_in_dim3A_43 = vector.shape_cast %reduce_sum3A_42 : vector<1xf32> to vector<1x1xf32>
      %get3A_44 = arith.constant 0 : index
      %get3A_45 = arith.constant 0 : index
      %get3A_46 = vector.load %arg9[%get3A_44, %get3A_45] : memref<1x128xf32, #tpu.memory_space<vmem>>, vector<1x128xf32>
      %mul3A_47 = arith.mulf %get3A_46, %exp3A : vector<1x128xf32>
      %add3A_48 = vector.broadcast %broadcast_in_dim3A_43 : vector<1x1xf32> to vector<1x128xf32>
      %add3A_49 = arith.addf %mul3A_47, %add3A_48 : vector<1x128xf32>
      %swap3A_50 = arith.constant 0 : index
      %swap3A_51 = arith.constant 0 : index
      %swap3A_52 = vector.load %arg9[%swap3A_50, %swap3A_51] : memref<1x128xf32, #tpu.memory_space<vmem>>, vector<1x128xf32>
      tpu.vector_store %arg9[%swap3A_50, %swap3A_51], %add3A_49 {strides = array<i32>} : memref<1x128xf32, #tpu.memory_space<vmem>>, vector<1x128xf32>,
      %swap3A_53 = arith.constant 0 : index
      %swap3A_54 = arith.constant 0 : index
      %swap3A_55 = vector.load %arg8[%swap3A_53, %swap3A_54] : memref<1x128xf32, #tpu.memory_space<vmem>>, vector<1x128xf32>
      tpu.vector_store %arg8[%swap3A_53, %swap3A_54], %max3A_38 {strides = array<i32>} : memref<1x128xf32, #tpu.memory_space<vmem>>, vector<1x128xf32>,
    } else {
    }
    %eq3A_9 = arith.constant 1 : i32
    %eq3A_10 = arith.cmpi eq, %arg0, %eq3A_9 : i32
    %convert_element_type3A_11 = arith.extui %eq3A_10 : i1 to i32
    %cond3A_12 = arith.constant 0 : i32
    %cond3A_13 = arith.cmpi ne, %convert_element_type3A_11, %cond3A_12 : i32
    scf.if %cond3A_13 {
      %get3A = arith.constant 0 : index
      %get3A_14 = arith.constant 0 : index
      %get3A_15 = vector.load %arg8[%get3A, %get3A_14] : memref<1x128xf32, #tpu.memory_space<vmem>>, vector<1x128xf32>
      %get3A_16 = arith.constant 0 : index
      %get3A_17 = arith.constant 0 : index
      %get3A_18 = vector.load %arg9[%get3A_16, %get3A_17] : memref<1x128xf32, #tpu.memory_space<vmem>>, vector<1x128xf32>
      %log3A = math.log %get3A_18 : vector<1x128xf32>
      %add3A = arith.addf %get3A_15, %log3A : vector<1x128xf32>
      %mul3A = arith.constant 65536 : i32
      %mul3A_19 = arith.muli %arg1, %mul3A : i32
      %get3A_20 = arith.constant 0 : index
      %get3A_21 = arith.index_cast %mul3A_19 : i32 to index
      %get3A_22 = vector.load %arg6[%get3A_20, %get3A_21] : memref<1x1048576xf32, #tpu.memory_space<vmem>>, vector<1x65536xf32>
      %slice3A = vector.extract_strided_slice %add3A {offsets = [0, 0], sizes = [1, 1], strides = [1, 1]} : vector<1x128xf32> to vector<1x1xf32>
      %sub3A = vector.broadcast %slice3A : vector<1x1xf32> to vector<1x65536xf32>
      %sub3A_23 = arith.subf %get3A_22, %sub3A : vector<1x65536xf32>
      %reshape3A = vector.shape_cast %sub3A_23 : vector<1x65536xf32> to vector<65536xf32>
      %swap3A = arith.constant 0 : index
      %swap3A_24 = vector.load %arg5[%swap3A] : memref<65536xf32, #tpu.memory_space<vmem>>, vector<65536xf32>
      tpu.vector_store %arg5[%swap3A], %reshape3A {strides = array<i32>} : memref<65536xf32, #tpu.memory_space<vmem>>, vector<65536xf32>,
    } else {
    }
    return
  }
  func.func @transform_0(%arg0: i32, %arg1: i32) -> (i32, i32) {
    %c0_i32 = arith.constant 0 : i32
    %c0_i32_0 = arith.constant 0 : i32
    %c0_i32_1 = arith.constant 0 : i32
    return %c0_i32, %c0_i32_0 : i32, i32
  }
  func.func @transform_1(%arg0: i32, %arg1: i32) -> (i32, i32, i32) {
    %sub3A = arith.constant 1 : i32
    %sub3A_0 = arith.subi %sub3A, %arg0 : i32
    %mul3A = arith.muli %arg1, %sub3A_0 : i32
    %c0_i32 = arith.constant 0 : i32
    %c0_i32_1 = arith.constant 0 : i32
    %c0_i32_2 = arith.constant 0 : i32
    return %mul3A, %c0_i32, %c0_i32_1 : i32, i32, i32
  }
  func.func @transform_2(%arg0: i32, %arg1: i32) -> i32 {
    %sub3A = arith.constant 1 : i32
    %sub3A_0 = arith.subi %sub3A, %arg0 : i32
    %mul3A = arith.muli %arg1, %sub3A_0 : i32
    %c0_i32 = arith.constant 0 : i32
    return %mul3A : i32
  }
  func.func @transform_3(%arg0: i32, %arg1: i32) -> i32 {
    %mul3A = arith.muli %arg1, %arg0 : i32
    %c0_i32 = arith.constant 0 : i32
    return %mul3A : i32
  }
}

</mosaic_0001>

<sc_bundles>
// kernel: sparse-core-data-format-call.cloned.1.call-start
scs
called_computation_lowered:
.L_overlay_start_0:
0x0: {  	s1 =	sld [smem:$0x3FD9]  }
0x1: {  	s2 =	sld [smem:$0x3FFE];
	_ =	sdelay $0x1  }
0x2: {  	s3 =	srdreg.scid  }
0x3: {  	s0 =	sand.u32 $0x1, s3  }
0x4: {  	s17 =	sshll.u32 s0, $0xA;
	s1 =	sadd.s32 s2, s1  }
0x5: {  	s1 =	sadd.s32 s1, s17  }
0x6: {  	[smem:$0x3FC4] =	sst s1  }
0x7: {  	_ = 	snop  }
0x8: {  	(tm) =	ssettm $0x1  }
0x9: {  	s18 =	sld [smem:$0x3FFB];
	_ =	sdelay $0x3  }
0xa: {  	_ =	strace s18  }
0xb: {  	s1 =	sld [smem:$0x3FFC];
	_ =	sdelay $0x3  }
0xc: {  	_ =	strace s1  }
0xd: {  	s1 =	sld [smem:$0x3FFD];
	_ =	sdelay $0x3  }
0xe: {  	_ =	strace s1  }
0xf: {  	_ =	strace $0x8FFFFFFF  }
0x10: {  	s19 =	sld [smem:$0x3FDB];
	_ =	sdelay $0x1  }
0x11: {  	s20 =	simm.s32 $_scs_section_size  }
0x12: {  	s4 =	simm.s32 $_size__tile_overlayer_lowered;
	s5 =	simm.s32 $_tile_overlayer_lowered  }
0x13: {  	s23 =	simm.s32 $0x1BFF;
	s22 =	sshll.u32 s5, $0x1;
	s1 =	sadd.s32 s20, s19  }
0x14: {  	s6 =	simm.s32 $0x0;
	s21 =	sshll.u32 s4, $0x1;
	s4 =	sadd.s32 s22, s1  }
0x15: {  	[timem:s6], [sflag:s23] =	dma.local [hbm:s4], s21  }
0x16: {  	_ =	swait.ge [sflag:s23], s21  }
0x17: {  	s2 =	ssub.s32 $0x0, s21;
	[sflag:s23] =	ssyncset.done $0x0  }
0x18: {  	[sflag:s23] =	ssyncadd.s32 s2;
	_ =	sdelay $0x1  }
0x19: {  	s24 =	simm.s32 $0x1B8B  }
0x1a: {  	_ =	swait.ge [sflag:s24], $0x1  }
0x1b: {  	[sflag:s24] =	ssyncset.done $0x0  }
0x1c: {  	s26 =	simm.s32 $0x1B8E;
	s25 =	sld [smem:$0x3FFE];
	[sflag:s24] =	ssyncadd.s32 $0xFFFFFFFF  }
0x1d: {  	s27 =	simm.s32 $execute0_lowered;
	[smem:$0x3FD2] =	sst s26  }
0x1e: {  	s4 =	sshll.u32 s27, $0x1;
	_ =	strace $0x80000046;
	[dreg:$0x1] =	wrdreg $0xFFFFFFFF  }
0x1f: {  	s28 =	simm.s32 $_size_execute0_lowered;
	s1 =	sadd.s32 s1, s4;
	[dreg:$0x0] =	wrdreg $0x0  }
0x20: {  	s4 =	sshll.u32 s28, $0x1;
	[dreg:$0x2] =	wrdreg s1  }
0x21: {  	[dreg:$0x3] =	wrdreg s4  }
0x22: {  	[dreg:$0x4] =	wrdreg $0xC0  }
0x23: {  	_ =	task [dreg:s6], $0x5FFFF  }
0x24: {  	[dreg:$0x1] =	wrdreg $0xFFFFFFFF  }
0x25: {  	[dreg:$0x0] =	wrdreg $0x60  }
0x26: {  	[dreg:$0x2] =	wrdreg s25  }
0x27: {  	[dreg:$0x3] =	wrdreg $0x9  }
0x28: {  	_ =	task.clear_ibuf [dreg:s6], $0x4FFFF;
	_ =	strace $0x90000046  }
0x29: {  	s29 =	simm.s32 $0x9;
	_ =	strace $0x80000048  }
0x2a: {  	_ =	swait.ge [sflag:s29], $0x1  }
0x2b: {  	[sflag:s29] =	ssyncadd.s32 $0xFFFFFFFF  }
0x2c: {  	_ =	strace $0x90000048  }
0x2d: {  	_ =	sfence  }
0x2e: {  	s30 =	sld [smem:$0x0];
	_ =	sdelay $0x2  }
0x2f: {  	s31 =	sshll.u32 s3, $0xD;
	s3 =	sshrl.u32 s3, $0x2  }
0x30: {  	s2 =	sand.u32 $0x4000, s31;
	s1 =	sadd.s32 s3, s30  }
0x31: {  	s0 =	sor.u32 s2, s0;
	s1 =	sshll.u32 s1, $0x11  }
0x32: {  	s0 =	sor.u32 s1, s0  }
0x33: {  	s0 =	sadd.s32 $0x8F2B, s0  }
0x34: {  	[sflag:s0] =	ssyncadd.remote.s32 $0x1  }
0x35: {  	_ =	sfence.sel $0xFFFF  }
0x36: {  	[dreg:$0x0] =	wrdreg $0xFFFFFFFF;
	(pc) =	sbr.abs _section_cstart, $3  }
0x37: {  	[dreg:$0x1] =	wrdreg $0xFFFFFFFF  }
0x38: {  	_ =	task.clear_ibuf [dreg:s6], $0x2FFFF;
	_ =	strace $0x9FFFFFFF  }
0x39: {  	(tm) =	ssettm $0x7FFFFFFF  }
tec
execute0_lowered:
.L_overlay_start_1:
0x0: {  	(tag) =	ssettag $0x1  }
0x1: {  	s1 =	rddreg [dreg:$0x0]  }
0x2: {  	s0 =	rddreg [dreg:$0x1];
	s3 =	srdreg.scid  }
0x3: {  	_ =	strace $0x80000047;
	s5 =	simm.s32 $0x1;
	s7 =	simm.s32 $0x2  }
0x4: {  	s12 =	simm.s32 $0x0;
	p0 =	por $0x0, $0x0;
	s14 =	simm.s32 $0x0  }
0x5: {  	s13 =	simm.s32 $0x0;
	s15 =	simm.s32 $0x0;
	s8 =	simm.s32 $0x0  }
.Ltmp0:
0x6: {  	s2 =	sadd.s32 $0x7A4C00, s1;
	s4 =	sshll.u32 s3, $0x4;
	(pc) =	sbr.rel .LBB1_1-.Ltmp0, $4  }
0x7: {  	s3 =	sadd.s32 $0xFA4C00, s1;
	s1 =	stileid.u32;
	s4 =	sand.u32 $0x10, s4  }
0x8: {  	s9 =	simm.s32 $0x0;
	[sflag:s5] =	ssyncpa.u1 $0x0;
	s6 =	sor.u32 s1, s4  }
0x9: {  	[sflag:s7] =	ssyncpa.u1 $0x0;
	s4 =	sand.u32 $0x7, s1;
	s6 =	sshrl.u32 s6, $0x3  }
0xa: {  	s7 =	simm.s32 $0x0;
	s11 =	smov.u32 s4;
	s10 =	smov.u32 s6  }
.LBB1_7:
0xb: {  	s16 =	sadd.s32 $0x800, s8  }
0xc: {  	s12 =	sadd.s32 $0x8, s9;
	s17 =	smov.u32 s9;
	p2 =	sgt.s32 s16, $0xFFFF  }
0xd: {  	s17 =	smov.u32 @p2 s12  }
0xe: {  	s18 =	smov.u32 s10;
	s12 =	sadd.s32 $0x4, s10;
	p3 =	sgt.s32 s17, $0x7  }
0xf: {  	s18 =	smov.u32 @p3 s12  }
0x10: {  	s19 =	smov.u32 s11;
	s12 =	sadd.s32 $0x8, s11;
	p4 =	sgt.s32 s18, $0xF  }
0x11: {  	p1 =	slt.u32 s7, $0x2;
	s19 =	smov.u32 @p4 s12  }
0x12: {  	s7 =	sadd.s32 $0x1, s7;
	s16 =	simm.s32 @p2 $0x0;
	p2 =	sgt.s32 s19, $0x7  }
0x13: {  	s20 =	simm.s32 @!p1 $0x2;
	s19 =	smov.u32 @p2 s4;
	p2 =	sne.s32 s7, $0x82  }
.Ltmp1:
0x14: {  	s14 =	smov.u32 s9;
	_ =	swait.ge @!p1 [sflag:s20], $0x4000;
	(pc) =	sbr.rel @!p2 .LBB1_8-.Ltmp1, $4  }
0x15: {  	s13 =	smov.u32 s10;
	s15 =	smov.u32 s11;
	[sflag:s20] =	ssyncset.done @!p1 $0x0  }
0x16: {  	p0 =	por !p0, !p0;
	s17 =	simm.s32 @p3 $0x0;
	[sflag:s20] =	ssyncadd.s32 @!p1 $0xFFFFC000  }
0x17: {  	s9 =	smov.u32 s17;
	s18 =	smov.u32 @p4 s6;
	s12 =	smov.u32 s8  }
0x18: {  	s8 =	smov.u32 s16;
	s10 =	smov.u32 s18;
	s11 =	smov.u32 s19  }
.LBB1_1:
0x19: {  	p1 =	sgt.u32 s7, $0x7F  }
0x1a: {  	s16 =	sxor.u32 @!p1 $0xFFFFFFFF, s7  }
0x1b: {  	s17 =	sand.u32 @!p1 $0x78, s8;
	s18 =	sshll.u32 @!p1 s8, $0x3;
	s19 =	sshll.u32 @!p1 s9, $0x7  }
0x1c: {  	s20 =	sshll.u32 @!p1 s11, $0x14;
	s19 =	sand.u32 @!p1 $0x380, s19;
	s18 =	sand.u32 @!p1 $0xFC00, s18  }
0x1d: {  	s20 =	sadd.s32 @!p1 s2, s20;
	s17 =	sor.u32 @!p1 s19, s17;
	s19 =	sshll.u32 @!p1 s10, $0x10  }
0x1e: {  	s17 =	sor.u32 @!p1 s18, s17;
	s18 =	sand.u32 @!p1 $0xE000, s8;
	s19 =	sadd.s32 @!p1 s19, s20  }
0x1f: {  	s16 =	sshll.u32 @!p1 s16, $0xE;
	s17 =	sshrl.u32 @!p1 s17, $0x3;
	s18 =	sadd.s32 @!p1 s18, s19  }
0x20: {  	s16 =	sand.u32 @!p1 $0x4000, s16;
	s17 =	sadd.s32 @!p1 s17, s18;
	s18 =	sand.u32 @!p1 $0x7, s8  }
0x21: {  	[tilespmem:s16], [sflag:$0x1] =	stream.linear.gather @!p1 [hbm4b:s17+s18], $0x4000, $0x38;
	[tilespmem:$0x10000] =	vst v63  }
0x22: {  	p1 =	seq.s32 s7, $0x0  }
0x23: {  	p2 =	seq.s32 @!p1 s7, $0x81  }
0x24: {  	p1 =	por p1, p2  }
.Ltmp2:
0x25: {  	_ = 	snop;
	(pc) =	sbr.rel @p1 .LBB1_7-.Ltmp2, $1  }
0x26: {  	_ =	sdelay $0x3  }
0x27: {  	s16 =	simm.s32 $0x1;
	_ =	swait.ge [sflag:s5], $0x4000;
	s19 =	sshll.u32 s7, $0xE  }
0x28: {  	s16 =	simm.s32 @!p0 $0x0;
	[sflag:s5] =	ssyncset.done $0x0;
	s31 =	sand.u32 $0x4000, s19  }
0x29: {  	s19 =	simm.s32 $0x0;
	s16 =	sshll.u32 s16, $0xE;
	[sflag:s5] =	ssyncadd.s32 $0xFFFFC000  }
0x2a: {  	s17 =	sor.u32 $0x8800, s16;
	s18 =	sor.u32 $0x800, s16;
	s16 =	sor.u32 $0x8000, s31  }
.LBB1_3:
0x2b: {  	v0 =	vld [tilespmem:s18+$0x470]  }
0x2c: {  	v1 =	vld [tilespmem:s18+$0xFFFFF810]  }
0x2d: {  	v2 =	vld [tilespmem:s18+$0xFFFFF820]  }
0x2e: {  	v3 =	vld [tilespmem:s18+$0xFFFFF830]  }
0x2f: {  	v4 =	vld [tilespmem:s18+$0xFFFFF840]  }
0x30: {  	v5 =	vld [tilespmem:s18+$0xFFFFF850];
	[tilespmem:s17+$0x470] =	vst v0  }
0x31: {  	[tilespmem:s17+$0xFFFFF810] =	vst v1;
	v0 =	vld [tilespmem:s18+$0xFFFFF860]  }
0x32: {  	[tilespmem:s17+$0xFFFFF820] =	vst v2;
	v1 =	vld [tilespmem:s18+$0xFFFFF870]  }
0x33: {  	[tilespmem:s17+$0xFFFFF830] =	vst v3;
	v2 =	vld [tilespmem:s18+$0xFFFFFC00]  }
0x34: {  	[tilespmem:s17+$0xFFFFF840] =	vst v4;
	v3 =	vld [tilespmem:s18+$0xFFFFFC10]  }
0x35: {  	[tilespmem:s17+$0xFFFFF850] =	vst v5;
	v4 =	vld [tilespmem:s18+$0xFFFFFC20]  }
0x36: {  	v5 =	vld [tilespmem:s18+$0x420];
	[tilespmem:s17+$0xFFFFF860] =	vst v0  }
0x37: {  	v0 =	vld [tilespmem:s18+$0xFFFFFC30];
	[tilespmem:s17+$0xFFFFF870] =	vst v1  }
0x38: {  	v1 =	vld [tilespmem:s18+$0xFFFFFC40];
	[tilespmem:s17+$0xFFFFFC00] =	vst v2  }
0x39: {  	[tilespmem:s17+$0xFFFFFC10] =	vst v3;
	v3 =	vld [tilespmem:s18+$0xFFFFFC60]  }
0x3a: {  	[tilespmem:s17+$0xFFFFFC20] =	vst v4;
	v4 =	vld [tilespmem:s18+$0xFFFFFC70]  }
0x3b: {  	v2 =	vld [tilespmem:s18+$0xFFFFFC50];
	[tilespmem:s17+$0x420] =	vst v5  }
0x3c: {  	[tilespmem:s17+$0xFFFFFC30] =	vst v0;
	v0 =	vld [tilespmem:s18+$0x0]  }
0x3d: {  	[tilespmem:s17+$0xFFFFFC40] =	vst v1;
	v1 =	vld [tilespmem:s18+$0x10]  }
0x3e: {  	[tilespmem:s17+$0xFFFFFC60] =	vst v3;
	v3 =	vld [tilespmem:s18+$0x30]  }
0x3f: {  	[tilespmem:s17+$0xFFFFFC70] =	vst v4;
	v4 =	vld [tilespmem:s18+$0x40]  }
0x40: {  	[tilespmem:s17+$0xFFFFFC50] =	vst v2;
	v2 =	vld [tilespmem:s18+$0x20]  }
0x41: {  	[tilespmem:s17+$0x0] =	vst v0;
	v0 =	vld [tilespmem:s18+$0x50]  }
0x42: {  	[tilespmem:s17+$0x10] =	vst v1;
	v1 =	vld [tilespmem:s18+$0x60]  }
0x43: {  	[tilespmem:s17+$0x30] =	vst v3;
	v3 =	vld [tilespmem:s18+$0x400]  }
0x44: {  	[tilespmem:s17+$0x40] =	vst v4;
	v4 =	vld [tilespmem:s18+$0x410]  }
0x45: {  	[tilespmem:s17+$0x20] =	vst v2;
	v2 =	vld [tilespmem:s18+$0x70]  }
0x46: {  	[tilespmem:s17+$0x50] =	vst v0;
	v0 =	vld [tilespmem:s18+$0x430]  }
0x47: {  	[tilespmem:s17+$0x60] =	vst v1;
	v1 =	vld [tilespmem:s18+$0x440]  }
0x48: {  	[tilespmem:s17+$0x400] =	vst v3;
	v3 =	vld [tilespmem:s18+$0x450]  }
0x49: {  	[tilespmem:s17+$0x410] =	vst v4;
	v4 =	vld [tilespmem:s18+$0x460]  }
0x4a: {  	s21 =	simm.s32 $0x0;
	s22 =	sadd.s32 $0x1000, s18;
	s20 =	smov.u32 s17;
	[tilespmem:s17+$0x70] =	vst v2;
	v2 =	vld [tilespmem:s18+$0xFFFFF800]  }
.LBB1_4:
0x4b: {  	v5 =	vld [tilespmem:s22+$0x470];
	s21 =	sadd.s32 $0x200, s21;
	[tilespmem:s20+$0x430] =	vst v0  }
0x4c: {  	v0 =	vld [tilespmem:s22+$0xFFFFF810];
	p1 =	slt.u32 s21, $0x600;
	[tilespmem:s20+$0x440] =	vst v1  }
0x4d: {  	v1 =	vld [tilespmem:s22+$0xFFFFF820];
	[tilespmem:s20+$0x450] =	vst v3  }
0x4e: {  	v3 =	vld [tilespmem:s22+$0xFFFFF830];
	[tilespmem:s20+$0x460] =	vst v4  }
0x4f: {  	v4 =	vld [tilespmem:s22+$0xFFFFF840];
	[tilespmem:s20+$0xFFFFF800] =	vst v2;
	s20 =	sadd.s32 $0x1000, s20  }
0x50: {  	v2 =	vld [tilespmem:s22+$0xFFFFF850];
	[tilespmem:s20+$0x470] =	vst v5  }
0x51: {  	[tilespmem:s20+$0xFFFFF810] =	vst v0;
	v0 =	vld [tilespmem:s22+$0xFFFFF860]  }
0x52: {  	[tilespmem:s20+$0xFFFFF820] =	vst v1;
	v1 =	vld [tilespmem:s22+$0xFFFFF870]  }
0x53: {  	[tilespmem:s20+$0xFFFFF830] =	vst v3;
	v3 =	vld [tilespmem:s22+$0xFFFFFC00]  }
0x54: {  	[tilespmem:s20+$0xFFFFF840] =	vst v4;
	v4 =	vld [tilespmem:s22+$0xFFFFFC10]  }
0x55: {  	[tilespmem:s20+$0xFFFFF850] =	vst v2;
	v2 =	vld [tilespmem:s22+$0xFFFFFC20]  }
0x56: {  	[tilespmem:s20+$0xFFFFF860] =	vst v0;
	v0 =	vld [tilespmem:s22+$0xFFFFFC30]  }
0x57: {  	[tilespmem:s20+$0xFFFFF870] =	vst v1;
	v1 =	vld [tilespmem:s22+$0xFFFFFC40]  }
0x58: {  	[tilespmem:s20+$0xFFFFFC00] =	vst v3;
	v3 =	vld [tilespmem:s22+$0xFFFFFC50]  }
0x59: {  	[tilespmem:s20+$0xFFFFFC10] =	vst v4;
	v4 =	vld [tilespmem:s22+$0xFFFFFC60]  }
0x5a: {  	[tilespmem:s20+$0xFFFFFC20] =	vst v2;
	v2 =	vld [tilespmem:s22+$0xFFFFFC70]  }
0x5b: {  	[tilespmem:s20+$0xFFFFFC30] =	vst v0;
	v0 =	vld [tilespmem:s22+$0x0]  }
0x5c: {  	[tilespmem:s20+$0xFFFFFC40] =	vst v1;
	v1 =	vld [tilespmem:s22+$0x10]  }
0x5d: {  	[tilespmem:s20+$0xFFFFFC50] =	vst v3;
	v3 =	vld [tilespmem:s22+$0x20]  }
0x5e: {  	[tilespmem:s20+$0xFFFFFC60] =	vst v4;
	v4 =	vld [tilespmem:s22+$0x30]  }
0x5f: {  	[tilespmem:s20+$0xFFFFFC70] =	vst v2;
	v2 =	vld [tilespmem:s22+$0x40]  }
0x60: {  	[tilespmem:s20+$0x0] =	vst v0;
	v0 =	vld [tilespmem:s22+$0x50]  }
0x61: {  	[tilespmem:s20+$0x10] =	vst v1;
	v1 =	vld [tilespmem:s22+$0x60]  }
0x62: {  	[tilespmem:s20+$0x20] =	vst v3;
	v3 =	vld [tilespmem:s22+$0x70]  }
0x63: {  	[tilespmem:s20+$0x30] =	vst v4;
	v4 =	vld [tilespmem:s22+$0x400]  }
0x64: {  	[tilespmem:s20+$0x40] =	vst v2;
	v2 =	vld [tilespmem:s22+$0x410]  }
0x65: {  	[tilespmem:s20+$0x50] =	vst v0;
	v5 =	vld [tilespmem:s22+$0x420]  }
.Ltmp3:
0x66: {  	[tilespmem:s20+$0x60] =	vst v1;
	v0 =	vld [tilespmem:s22+$0x430];
	(pc) =	sbr.rel @p1 .LBB1_4-.Ltmp3, $4  }
0x67: {  	[tilespmem:s20+$0x70] =	vst v3;
	v1 =	vld [tilespmem:s22+$0x440]  }
0x68: {  	[tilespmem:s20+$0x400] =	vst v4;
	v3 =	vld [tilespmem:s22+$0x450]  }
0x69: {  	[tilespmem:s20+$0x410] =	vst v2;
	v4 =	vld [tilespmem:s22+$0x460]  }
0x6a: {  	v2 =	vld [tilespmem:s22+$0xFFFFF800];
	[tilespmem:s20+$0x420] =	vst v5;
	s22 =	sadd.s32 $0x1000, s22  }
0x6b: {  	s19 =	sadd.s32 $0x1, s19  }
0x6c: {  	p1 =	sne.s32 s19, $0x8  }
.Ltmp4:
0x6d: {  	[tilespmem:s20+$0x430] =	vst v0;
	(pc) =	sbr.rel @p1 .LBB1_3-.Ltmp4, $4  }
0x6e: {  	[tilespmem:s20+$0x440] =	vst v1  }
0x6f: {  	[tilespmem:s20+$0x450] =	vst v3  }
0x70: {  	[tilespmem:s20+$0x460] =	vst v4  }
0x71: {  	s17 =	sadd.s32 $0x80, s17;
	s18 =	sadd.s32 $0x80, s18;
	[tilespmem:s20+$0xFFFFF800] =	vst v2  }
0x72: {  	s17 =	sand.u32 $0x78, s12  }
0x73: {  	s18 =	sshll.u32 s12, $0x3;
	s14 =	sshll.u32 s14, $0x7;
	s15 =	sshll.u32 s15, $0x10  }
0x74: {  	s13 =	sshll.u32 s13, $0x13;
	s14 =	sand.u32 $0x380, s14;
	s18 =	sand.u32 $0xFC00, s18  }
.Ltmp5:
0x75: {  	s15 =	sadd.s32 s3, s15;
	s14 =	sor.u32 s14, s17;
	(pc) =	sbr.rel .LBB1_7-.Ltmp5, $4  }
0x76: {  	s30 =	sand.u32 $0xE000, s12;
	s13 =	sadd.s32 s13, s15;
	s14 =	sor.u32 s18, s14  }
0x77: {  	s13 =	sadd.s32 s30, s13;
	s14 =	sshrl.u32 s14, $0x3  }
0x78: {  	s31 =	sand.u32 $0x7, s12;
	s13 =	sadd.s32 s14, s13  }
0x79: {  	[hbm4b:s13+s31] =	stream.linear.scatter [tilespmem:s16], [sflag:$0x2], $0x4000, $0x38;
	[tilespmem:$0x10000] =	vst v63  }
.LBB1_8:
0x7a: {  	_ =	sfence.sel $0x180000  }
0x7b: {  	s2 =	simm.s32 $0x1;
	[bflag:$0x0] =	sbarrier.arrive $0xFFFF  }
0x7c: {  	s31 =	simm.s32 $0x2;
	[sflag:s2] =	ssyncpa.u1 $0x1  }
0x7d: {  	[sflag:s31] =	ssyncpa.u1 $0x1  }
0x7e: {  	p0 =	sne.s32 s1, $0x0;
	_ =	strace $0x90000047  }
0x7f: {  	s0 =	sadd.s32 @!p0 $0x100000, s0;
	[bflag:$0x2] =	sbarrier.arrive $0xFFFF  }
0x80: {  	[sflag:s0] =	ssyncadd.tile.s32 @!p0 $0x1;
	_ =	shalt  }
.Lfunc_end1:
_tile_overlayer_lowered:
.L_overlay_start_2:
0x81: {  	(tag) =	ssettag $0x2  }
0x82: {  	s0 =	rddreg [dreg:$0x0];
	s2 =	stileid.u32  }
0x83: {  	s1 =	rddreg [dreg:$0x1];
	p0 =	sne.s32 s2, $0x0  }
0x84: {  	s3 =	rddreg [dreg:$0x2];
	[bflag:$0x3] =	sbarrier.arrive $0xFFFF;
	s2 =	simm.s32 @!p0 $0x1C01  }
0x85: {  	[timem:s3], [sflag:s2] =	dma.local @!p0 [hbm:s0], s1  }
0x86: {  	s0 =	simm.s32 @!p0 $0x1  }
0x87: {  	_ =	swait.ge @!p0 [sflag:s0], s1  }
0x88: {  	s1 =	ssub.s32 @!p0 $0x0, s1;
	[sflag:s0] =	ssyncset.done @!p0 $0x0  }
0x89: {  	[sflag:s0] =	ssyncadd.s32 @!p0 s1  }
0x8a: {  	[bflag:$0x3] =	sbarrier.arrive $0xFFFF  }
0x8b: {  	_ =	shalt  }

</sc_bundles>
